<compile_context>
chip_gen: v7x
topology: tpu7x:2x2x1
jax: 0.10.2.dev20260603
libtpu: 0.0.44.dev20260713+nightly
codegen_flags: <defaults>
</compile_context>

<pallas_src>
import functools

import jax
import jax.numpy as jnp
from jax import lax
from jax.experimental import pallas as pl
from jax.experimental.pallas import tpu as pltpu
from jax.experimental.pallas import tpu_sc as plsc

_KB = 4096
_TOPK = 4
_BIG = 3.0e38


def _extract4(vals, idxs):
    tv, ti = [], []
    for r in range(_TOPK):
        m = jnp.min(vals, axis=1, keepdims=True)
        cand = jnp.where(vals == m, idxs, _BIG)
        ai = jnp.min(cand, axis=1, keepdims=True)
        tv.append(m)
        ti.append(ai)
        if r + 1 < _TOPK:
            vals = jnp.where(idxs == ai, jnp.inf, vals)
    return jnp.concatenate(tv, axis=1), jnp.concatenate(ti, axis=1)


def _topk_kernel(h_ref, w_ref, b_ref, keys_ref, ksq_ref,
                 fp_out_ref, vals_ref, idxs_ref, fp_ref, qsq_ref, *,
                 kb, n_keys):
    step = pl.program_id(0)
    q = h_ref.shape[0]
    nsteps = pl.num_programs(0)

    @pl.when(step == 0)
    def _project():
        x = jnp.dot(h_ref[...], w_ref[...],
                    preferred_element_type=jnp.float32)
        x = x + b_ref[...]
        fpv = jax.nn.sigmoid(x)
        fp_ref[...] = fpv
        fp_out_ref[...] = fpv
        qsq_ref[...] = jnp.sum(fpv * fpv, axis=1, keepdims=True)

    fp = fp_ref[...]
    tile = keys_ref[...]
    if n_keys % kb:
        row = step * kb + lax.broadcasted_iota(jnp.int32, (kb, 1), 0)
        tile = jnp.where(row < n_keys, tile, 0.0)
    ksq = ksq_ref[...].reshape(1, kb)
    dot = lax.dot_general(fp, tile, (((1,), (1,)), ((), ())),
                          preferred_element_type=jnp.float32)
    lidx = lax.broadcasted_iota(jnp.int32, (q, kb), 1).astype(jnp.float32)
    s = (qsq_ref[...] + ksq) - 2.0 * dot
    tile_v, tile_i = _extract4(s, lidx)
    tile_i = tile_i + jnp.float32(step * kb)

    @pl.when(step == 0)
    def _init():
        vals_ref[...] = tile_v
        idxs_ref[...] = tile_i

    @pl.when(step > 0)
    def _merge():
        cv = jnp.concatenate([vals_ref[...], tile_v], axis=1)
        ci = jnp.concatenate([idxs_ref[...], tile_i], axis=1)
        mv, mi = _extract4(cv, ci)
        vals_ref[...] = mv
        idxs_ref[...] = mi


@functools.partial(jax.jit, static_argnums=(2, 3))
def _sc_gather(table, idx, n_rows, d):
    info = plsc.get_sparse_core_info()
    nw = info.num_cores * info.num_subcores
    b_per_w = n_rows // nw
    mesh = plsc.VectorSubcoreMesh(core_axis_name="c", subcore_axis_name="s")

    @functools.partial(
        pl.kernel, mesh=mesh,
        out_type=jax.ShapeDtypeStruct((n_rows, d), jnp.float32),
        scratch_types=[
            pltpu.VMEM((b_per_w,), jnp.int32),
            pltpu.VMEM((b_per_w, d), jnp.float32),
            pltpu.SemaphoreType.DMA,
        ],
    )
    def gath(table_hbm, idx_hbm, out_hbm, idx_v, rows_v, sem):
        wid = lax.axis_index("s") * info.num_cores + lax.axis_index("c")
        base = wid * b_per_w
        pltpu.sync_copy(idx_hbm.at[pl.ds(base, b_per_w)], idx_v)
        pltpu.async_copy(table_hbm.at[idx_v], rows_v, sem).wait()
        pltpu.sync_copy(rows_v, out_hbm.at[pl.ds(base, b_per_w)])

    return gath(table, idx)


def kernel(h, keys, W, b, topk):
    q, h_dim = h.shape
    n_keys, d = keys.shape

    nsteps = (n_keys + _KB - 1) // _KB
    ksq = jnp.sum(keys * keys, axis=-1)
    ksq = jnp.pad(ksq, (0, nsteps * _KB - n_keys),
                  constant_values=jnp.inf).reshape(nsteps, 1, _KB)
    fp, vals, idxs = pl.pallas_call(
        functools.partial(_topk_kernel, kb=_KB, n_keys=n_keys),
        grid=(nsteps,),
        in_specs=[
            pl.BlockSpec((q, h_dim), lambda k: (0, 0)),
            pl.BlockSpec((h_dim, d), lambda k: (0, 0)),
            pl.BlockSpec((1, d), lambda k: (0, 0)),
            pl.BlockSpec((_KB, d), lambda k: (k, 0)),
            pl.BlockSpec((1, 1, _KB), lambda k: (k, 0, 0)),
        ],
        out_specs=(
            pl.BlockSpec((q, d), lambda k: (0, 0)),
            pl.BlockSpec((q, _TOPK), lambda k: (0, 0)),
            pl.BlockSpec((q, _TOPK), lambda k: (0, 0)),
        ),
        out_shape=(
            jax.ShapeDtypeStruct((q, d), jnp.float32),
            jax.ShapeDtypeStruct((q, _TOPK), jnp.float32),
            jax.ShapeDtypeStruct((q, _TOPK), jnp.float32),
        ),
        scratch_shapes=[
            pltpu.VMEM((q, d), jnp.float32),
            pltpu.VMEM((q, 1), jnp.float32),
        ],
        compiler_params=pltpu.CompilerParams(
            dimension_semantics=("arbitrary",),
        ),
    )(h, W, b.reshape(1, d), keys, ksq)
    idxs = idxs.astype(jnp.int32)

    dist = jnp.sqrt(jnp.maximum(vals, 1e-12))
    fp_retrieved = _sc_gather(keys, idxs.reshape(-1), q * _TOPK, d)
    fp_retrieved = fp_retrieved.reshape(q, _TOPK, d)
    fp_pred = jnp.broadcast_to(fp[:, None, :], (q, _TOPK, d))
    return fp_pred, fp_retrieved, dist, idxs

# --- scband reference (transcript-rebuilt; emitter-appended) ---
"""Pipeline reference for scband-base-fingerprint-head-87797721465454 (READ-ONLY COPY).

The authoritative reference and input builder live on the scoring server;
editing this copy changes nothing except your own understanding.
"""

import jax, jax.numpy as jnp
import numpy as np

Q = 1024
H_DIM = 1024
FP_DIM = 256
N_KEYS = 100000


def setup_inputs(seed: int = 0) -> dict:
    key = jax.random.key(seed)
    k1, k2, k3 = jax.random.split(key, 3)
    h = jax.random.normal(k1, (Q, H_DIM), dtype=jnp.float32)
    keys = jax.random.uniform(k2, (N_KEYS, FP_DIM), dtype=jnp.float32)
    W = jax.random.normal(k3, (H_DIM, FP_DIM), dtype=jnp.float32) * 0.02
    b = jnp.zeros((FP_DIM,), dtype=jnp.float32)
    return {"h": h, "keys": keys, "W": W, "b": b, "topk": 4}


def reference(h, keys, W, b, topk):
    # predict(): fingerprint head -- linear projection + sigmoid to produce
    # a soft fingerprint of shape (*batch, fp_dim)
    fp = jax.nn.sigmoid(h @ W + b)
    fp_dim = fp.shape[-1]
    fp_flat = fp.reshape(-1, fp_dim)

    # fpindex.query_cuda(): exact kNN over the fingerprint index by L2 distance
    q_sq = jnp.sum(fp_flat * fp_flat, axis=-1, keepdims=True)      # (Q, 1)
    k_sq = jnp.sum(keys * keys, axis=-1)                            # (K,)
    d2 = q_sq + k_sq[None, :] - 2.0 * (fp_flat @ keys.T)            # (Q, K)

    neg_d2_top, idx = jax.lax.top_k(-d2, 4)                         # (Q, topk)
    idx = idx + (topk - topk)
    dist = jnp.sqrt(jnp.maximum(-neg_d2_top, 1e-12))                # (Q, topk)

    # gather retrieved fingerprints from the index
    fp_retrieved = jnp.take(keys, idx, axis=0)                      # (Q, topk, fp_dim)
    # out_fp_pred = fp[..., None, :].expand(...)
    fp_pred = jnp.broadcast_to(fp_flat[:, None, :], fp_retrieved.shape)

    return fp_pred, fp_retrieved, dist, idx

if __name__ == "__main__":
    import jax
    _d = setup_inputs()
    print(jax.jit(kernel)(*tuple(_d.values())))

</pallas_src>

<mosaic_0001>
#map = affine_map<(d0, d1) -> (0, 0)>
#map1 = affine_map<(d0, d1) -> (0)>
module attributes {stable_mosaic.version = 14 : i64} {
  func.func @gath(%arg0: i32, %arg1: i32, %arg2: memref<100000x256xf32, #tpu.memory_space<hbm>>, %arg3: memref<4096xi32, #tpu.memory_space<hbm>>, %arg4: memref<4096x256xf32, #tpu.memory_space<hbm>>, %arg5: memref<128xi32, #tpu.memory_space<vmem>>, %arg6: memref<128x256xf32, #tpu.memory_space<vmem>>, %arg7: memref<!tpu.dma_semaphore, #tpu.memory_space<semaphore_mem>>) attributes {dimension_semantics = [#tpu.dimension_semantics<core_parallel>, #tpu.dimension_semantics<subcore_parallel>], iteration_bounds = array<i64: 2, 16>, scalar_prefetch = 0 : i64, scratch_operands = 3 : i64, tpu.core_type = #tpu.core_type<sc_vector_subcore>, window_params = [{transform_indices = #map}, {transform_indices = #map1}, {transform_indices = #map}]} {
    %mul3A = arith.constant 2 : i32
    %mul3A_0 = arith.muli %arg1, %mul3A : i32
    %add3A = arith.addi %mul3A_0, %arg0 : i32
    %mul3A_1 = arith.constant 128 : i32
    %mul3A_2 = arith.muli %add3A, %mul3A_1 : i32
    "tpu.region"() ({
      %run_scoped3A = tpu.sem_alloc : memref<!tpu.dma_semaphore, #tpu.memory_space<semaphore_mem>>
      %dma_start3A_7 = tpu.memref_slice %arg3[%mul3A_2] : memref<4096xi32, #tpu.memory_space<hbm>> -> memref<128xi32, #tpu.memory_space<hbm>>
      %dma_start3A_8 = tpu.memref_slice %arg3[%mul3A_2] : memref<4096xi32, #tpu.memory_space<hbm>> -> memref<128xi32, #tpu.memory_space<hbm>>
      tpu.enqueue_dma source(%dma_start3A_8 : memref<128xi32, #tpu.memory_space<hbm>>) target(%arg5 : memref<128xi32, #tpu.memory_space<vmem>>) target_semaphore(%run_scoped3A : memref<!tpu.dma_semaphore, #tpu.memory_space<semaphore_mem>>)
      %dma_wait3A_9 = tpu.memref_slice %arg3[%mul3A_2] : memref<4096xi32, #tpu.memory_space<hbm>> -> memref<128xi32, #tpu.memory_space<hbm>>
      %dma_wait3A_10 = tpu.memref_slice %arg3[%mul3A_2] : memref<4096xi32, #tpu.memory_space<hbm>> -> memref<128xi32, #tpu.memory_space<hbm>>
      tpu.wait_dma2 semaphore(%run_scoped3A : memref<!tpu.dma_semaphore, #tpu.memory_space<semaphore_mem>>) src(%dma_wait3A_10 : memref<128xi32, #tpu.memory_space<hbm>>) dst(%arg5 : memref<128xi32, #tpu.memory_space<vmem>>)
      tpu.yield
    }) : () -> ()
    %dma_start3A = arith.constant 0 : i32
    %dma_start3A_3 = arith.constant 0 : i32
    %dma_start3A_4 = tpu.memref_slice %arg2[%dma_start3A, %dma_start3A_3] : memref<100000x256xf32, #tpu.memory_space<hbm>> -> memref<100000x256xf32, #tpu.memory_space<hbm>>
    tpu.enqueue_indirect_dma source(%dma_start3A_4 : memref<100000x256xf32, #tpu.memory_space<hbm>>) target(%arg6 : memref<128x256xf32, #tpu.memory_space<vmem>>) offsets(%arg5 : memref<128xi32, #tpu.memory_space<vmem>>) semaphore(%arg7 : memref<!tpu.dma_semaphore, #tpu.memory_space<semaphore_mem>>)
    %dma_wait3A = arith.constant 0 : i32
    %dma_wait3A_5 = arith.constant 0 : i32
    %dma_wait3A_6 = tpu.memref_slice %arg2[%dma_wait3A, %dma_wait3A_5] : memref<100000x256xf32, #tpu.memory_space<hbm>> -> memref<100000x256xf32, #tpu.memory_space<hbm>>
    tpu.wait_indirect_dma semaphore(%arg7 : memref<!tpu.dma_semaphore, #tpu.memory_space<semaphore_mem>>) src(%dma_wait3A_6 : memref<100000x256xf32, #tpu.memory_space<hbm>>) dst(%arg6 : memref<128x256xf32, #tpu.memory_space<vmem>>)
    "tpu.region"() ({
      %run_scoped3A = tpu.sem_alloc : memref<!tpu.dma_semaphore, #tpu.memory_space<semaphore_mem>>
      %dma_start3A_7 = arith.constant 0 : i32
      %dma_start3A_8 = tpu.memref_slice %arg4[%mul3A_2, %dma_start3A_7] : memref<4096x256xf32, #tpu.memory_space<hbm>> -> memref<128x256xf32, #tpu.memory_space<hbm>>
      %dma_start3A_9 = arith.constant 0 : i32
      %dma_start3A_10 = tpu.memref_slice %arg4[%mul3A_2, %dma_start3A_9] : memref<4096x256xf32, #tpu.memory_space<hbm>> -> memref<128x256xf32, #tpu.memory_space<hbm>>
      tpu.enqueue_dma source(%arg6 : memref<128x256xf32, #tpu.memory_space<vmem>>) target(%dma_start3A_10 : memref<128x256xf32, #tpu.memory_space<hbm>>) target_semaphore(%run_scoped3A : memref<!tpu.dma_semaphore, #tpu.memory_space<semaphore_mem>>)
      %dma_wait3A_11 = arith.constant 0 : i32
      %dma_wait3A_12 = tpu.memref_slice %arg4[%mul3A_2, %dma_wait3A_11] : memref<4096x256xf32, #tpu.memory_space<hbm>> -> memref<128x256xf32, #tpu.memory_space<hbm>>
      %dma_wait3A_13 = arith.constant 0 : i32
      %dma_wait3A_14 = tpu.memref_slice %arg4[%mul3A_2, %dma_wait3A_13] : memref<4096x256xf32, #tpu.memory_space<hbm>> -> memref<128x256xf32, #tpu.memory_space<hbm>>
      tpu.wait_dma2 semaphore(%run_scoped3A : memref<!tpu.dma_semaphore, #tpu.memory_space<semaphore_mem>>) src(%arg6 : memref<128x256xf32, #tpu.memory_space<vmem>>) dst(%dma_wait3A_14 : memref<128x256xf32, #tpu.memory_space<hbm>>)
      tpu.yield
    }) : () -> ()
    return
  }
}

</mosaic_0001>

<sc_bundles>
// kernel: _sc_gather.3.cloned.1.call-start
scs
__scs_entry_jumppad:
0x0: {  	(pc) =	sbr.rel $0x88, $3  }
0x1: {  	(tag) =	ssettag $0x0;
	lr =	simm.s32 $0x1  }
0x2: {  	[smem:$0x3F9F] =	sst lr;
	_ =	strace $0xD0000000  }
0x3: {  	_ = 	snop  }
0x4: {  	_ = 	snop  }
0x5: {  	_ = 	snop  }
0x6: {  	_ = 	snop  }
0x7: {  	_ = 	snop  }
__scs_overlays_trampoline_lowered:
0x8: {  	[smem:$0x3FAE] =	sst s0  }
0x9: {  	[smem:$0x3FAF] =	sst s1  }
0xa: {  	[smem:$0x3FB0] =	sst s2  }
0xb: {  	[smem:$0x3FB1] =	sst s3  }
0xc: {  	[smem:$0x3FB2] =	sst s4  }
0xd: {  	[smem:$0x3FB3] =	sst s5  }
0xe: {  	[smem:$0x3FB4] =	sst s6  }
0xf: {  	[smem:$0x3FB5] =	sst s7  }
0x10: {  	[smem:$0x3FB6] =	sst s8  }
0x11: {  	[smem:$0x3FB7] =	sst s9;
	s0 =	simm.s32 @!p0 $0x0  }
0x12: {  	s1 =	sld [smem:$0x3F9D];
	s0 =	simm.s32 @p0 $0x1  }
0x13: {  	[smem:$0x3FB8] =	sst s0;
	s0 =	simm.s32 @!p1 $0x0  }
0x14: {  	s2 =	sld [smem:$0x3F9C];
	s0 =	simm.s32 @p1 $0x1  }
0x15: {  	[smem:$0x3FB9] =	sst s0;
	s0 =	simm.s32 @!p2 $0x0  }
0x16: {  	s3 =	sld [smem:$0x3FDB];
	s0 =	simm.s32 @p2 $0x1  }
0x17: {  	s4 =	simm.s32 $0x1BF5;
	[smem:$0x3FBB] =	sst s0  }
0x18: {  	s0 =	sld [smem:$0x3F9E];
	_ =	swait.ge [sflag:s4], $0x0  }
0x19: {  	s7 =	sld [smem:$0x3F9F]  }
0x1a: {  	s8 =	sadd.s32 $0xFFFFE003, lr  }
0x1b: {  	s9 =	sadd.s32 $0xFFFFFEF7, lr;
	s5 =	simm.s32 $0xFFFFFFFF;
	p2 =	slt.u32 s8, $0xFFFFF086  }
0x1c: {  	p1 =	slt.u32 s9, $0xF7A;
	s5 =	simm.s32 @!p2 $0x0  }
0x1d: {  	s5 =	simm.s32 @p1 $0x1;
	p0 =	seq.s32 s7, s2  }
0x1e: {  	s7 =	smul.u32 @!p0 $0xF7A, s2;
	p2 =	seq.s32 @!p0 s5, $0x0  }
0x1f: {  	s9 =	smul.u32 $0xF7A, s1;
	s8 =	simm.s32 @!p0 $0x1BF5;
	p2 =	por !p2, p0  }
0x20: {  	[sflag:s8] =	ssyncset.s32 @!p0 $0xFFFFF086;
	s6 =	sadd.s32 @!p0 s3, s7;
	s7 =	simm.s32 @!p0 $0x108  }
0x21: {  	s3 =	sadd.s32 s3, s9;
	s6 =	sadd.s32 @!p0 $0x88, s6;
	s7 =	simm.s32 @p2 $0x1082  }
0x22: {  	[simem:s7], [sflag:s8] =	dma.local @!p0 [hbm:s6], $0xF7A  }
0x23: {  	s9 =	sor.u32 $0xD0000000, s2;
	s6 =	simm.s32 $0x108;
	_ =	swait.ge @!p0 [sflag:s8], $0x0  }
0x24: {  	s3 =	sadd.s32 $0x88, s3;
	s6 =	simm.s32 @!p1 $0x1082;
	[sflag:s4] =	ssyncset.s32 $0xFFFFF086  }
0x25: {  	[simem:s6], [sflag:s4] =	dma.local [hbm:s3], $0xF7A  }
0x26: {  	[smem:$0x3F9F] =	sst s1;
	(tag) =	ssettag s2;
	_ =	strace s9  }
0x27: {  	s1 =	sld [smem:$0x3FAF]  }
0x28: {  	s2 =	sld [smem:$0x3FB0]  }
0x29: {  	s4 =	sld [smem:$0x3FB2]  }
0x2a: {  	p0 =	seq.s32 s5, $0x0;
	s5 =	sld [smem:$0x3FB3]  }
0x2b: {  	s6 =	sld [smem:$0x3FB4]  }
0x2c: {  	s7 =	sld [smem:$0x3FB5]  }
0x2d: {  	s3 =	simm.s32 $0x108;
	s8 =	sld [smem:$0x3FB6]  }
0x2e: {  	s3 =	simm.s32 @!p0 $0x1082;
	s9 =	sld [smem:$0x3FB7]  }
0x2f: {  	lr =	sadd.s32 s0, s3;
	s0 =	sld [smem:$0x3FAE]  }
0x30: {  	s3 =	sld [smem:$0x3FB1]  }
0x31: {  	[smem:$0x3FBA] =	sst s10  }
0x32: {  	s10 =	sld [smem:$0x3FB8];
	_ =	sdelay $0x3  }
0x33: {  	p0 =	seq.s32 s10, $0x1;
	s10 =	sld [smem:$0x3FBA];
	_ =	sdelay $0x3  }
0x34: {  	[smem:$0x3FBA] =	sst s10  }
0x35: {  	s10 =	sld [smem:$0x3FB9];
	_ =	sdelay $0x3  }
0x36: {  	p1 =	seq.s32 s10, $0x1;
	s10 =	sld [smem:$0x3FBA];
	_ =	sdelay $0x3  }
0x37: {  	[smem:$0x3FBA] =	sst s10  }
0x38: {  	s10 =	sld [smem:$0x3FBB]  }
0x39: {  	_ = 	snop;
	(pc) =	sbr.ind lr, $3  }
0x3a: {  	_ = 	snop  }
0x3b: {  	_ = 	snop  }
0x3c: {  	p2 =	seq.s32 s10, $0x1;
	s10 =	sld [smem:$0x3FBA]  }
0x3d: {  	_ =	shalt  }
0x3e: {  	_ =	shalt  }
0x3f: {  	_ =	shalt  }
0x40: {  	_ =	shalt  }
0x41: {  	_ =	shalt  }
0x42: {  	_ =	shalt  }
0x43: {  	_ =	shalt  }
0x44: {  	_ =	shalt  }
0x45: {  	_ =	shalt  }
0x46: {  	_ =	shalt  }
0x47: {  	_ =	shalt  }
0x48: {  	_ =	shalt  }
0x49: {  	_ =	shalt  }
0x4a: {  	_ =	shalt  }
0x4b: {  	_ =	shalt  }
0x4c: {  	_ =	shalt  }
0x4d: {  	_ =	shalt  }
0x4e: {  	_ =	shalt  }
0x4f: {  	_ =	shalt  }
0x50: {  	_ =	shalt  }
0x51: {  	_ =	shalt  }
0x52: {  	_ =	shalt  }
0x53: {  	_ =	shalt  }
0x54: {  	_ =	shalt  }
0x55: {  	_ =	shalt  }
0x56: {  	_ =	shalt  }
0x57: {  	_ =	shalt  }
0x58: {  	_ =	shalt  }
0x59: {  	_ =	shalt  }
0x5a: {  	_ =	shalt  }
0x5b: {  	_ =	shalt  }
0x5c: {  	_ =	shalt  }
0x5d: {  	_ =	shalt  }
0x5e: {  	_ =	shalt  }
0x5f: {  	_ =	shalt  }
0x60: {  	_ =	shalt  }
0x61: {  	_ =	shalt  }
0x62: {  	_ =	shalt  }
0x63: {  	_ =	shalt  }
0x64: {  	_ =	shalt  }
0x65: {  	_ =	shalt  }
0x66: {  	_ =	shalt  }
0x67: {  	_ =	shalt  }
0x68: {  	_ =	shalt  }
0x69: {  	_ =	shalt  }
0x6a: {  	_ =	shalt  }
0x6b: {  	_ =	shalt  }
0x6c: {  	_ =	shalt  }
0x6d: {  	_ =	shalt  }
0x6e: {  	_ =	shalt  }
0x6f: {  	_ =	shalt  }
0x70: {  	_ =	shalt  }
0x71: {  	_ =	shalt  }
0x72: {  	_ =	shalt  }
0x73: {  	_ =	shalt  }
0x74: {  	_ =	shalt  }
0x75: {  	_ =	shalt  }
0x76: {  	_ =	shalt  }
0x77: {  	_ =	shalt  }
0x78: {  	_ =	shalt  }
0x79: {  	_ =	shalt  }
0x7a: {  	_ =	shalt  }
0x7b: {  	_ =	shalt  }
0x7c: {  	_ =	shalt  }
0x7d: {  	_ =	shalt  }
0x7e: {  	_ =	shalt  }
0x7f: {  	_ =	shalt  }
0x80: {  	_ =	shalt  }
0x81: {  	_ =	shalt  }
0x82: {  	_ =	shalt  }
0x83: {  	_ =	shalt  }
0x84: {  	_ =	shalt  }
0x85: {  	_ =	shalt  }
0x86: {  	_ =	shalt  }
0x87: {  	_ =	shalt  }
.Lfunc_end0:
.L_simem_size_0:
called_computation_lowered:
.L_overlay_start_0:
0x88: {  	s2 =	sld [smem:$0x3FD9]  }
0x89: {  	s3 =	sld [smem:$0x3FFE];
	_ =	sdelay $0x1  }
0x8a: {  	s1 =	srdreg.scid  }
0x8b: {  	s0 =	sand.u32 $0x1, s1  }
0x8c: {  	s18 =	sshll.u32 s0, $0xA;
	s2 =	sadd.s32 s3, s2  }
0x8d: {  	s2 =	sadd.s32 s2, s18  }
0x8e: {  	[smem:$0x3FC6] =	sst s2  }
0x8f: {  	_ = 	snop  }
0x90: {  	s2 =	sld [smem:$0x3FC9]  }
0x91: {  	s19 =	sld [smem:$0x3FC8]  }
0x92: {  	s4 =	sld [smem:$0x3FD0];
	(tm) =	ssettm $0x1  }
0x93: {  	s5 =	sld [smem:$0x3FFB];
	_ =	sdelay $0x3  }
0x94: {  	_ =	strace s5  }
0x95: {  	s5 =	sld [smem:$0x3FFC];
	_ =	sdelay $0x3  }
0x96: {  	_ =	strace s5  }
0x97: {  	s5 =	sld [smem:$0x3FFD];
	_ =	sdelay $0x3  }
0x98: {  	_ =	strace s5  }
0x99: {  	_ =	strace $0x8FFFFFFF  }
0x9a: {  	s20 =	sld [smem:$0x3FDB];
	_ =	sdelay $0x1  }
0x9b: {  	s6 =	simm.s32 $_scs_section_size  }
0x9c: {  	s7 =	simm.s32 $_size__tile_overlayer_lowered;
	s8 =	simm.s32 $_tile_overlayer_lowered  }
0x9d: {  	s23 =	simm.s32 $0x1BFF;
	s22 =	sshll.u32 s8, $0x1;
	s5 =	sadd.s32 s6, s20  }
0x9e: {  	s9 =	simm.s32 $0x0;
	s21 =	sshll.u32 s7, $0x1;
	s7 =	sadd.s32 s22, s5  }
0x9f: {  	[timem:s9], [sflag:s23] =	dma.local [hbm:s7], s21  }
0xa0: {  	_ =	swait.ge [sflag:s23], s21  }
0xa1: {  	s6 =	ssub.s32 $0x0, s21;
	[sflag:s23] =	ssyncset.done $0x0  }
0xa2: {  	[sflag:s23] =	ssyncadd.s32 s6;
	_ =	sdelay $0x1  }
0xa3: {  	s24 =	simm.s32 $0x1B8B  }
0xa4: {  	_ =	swait.ge [sflag:s24], $0x1  }
0xa5: {  	[sflag:s24] =	ssyncset.done $0x0  }
0xa6: {  	s25 =	simm.s32 $0x1B8E;
	[sflag:s24] =	ssyncadd.s32 $0xFFFFFFFF  }
0xa7: {  	s26 =	simm.s32 $execute0_lowered;
	[smem:$0x3FD2] =	sst s25  }
0xa8: {  	s6 =	sshll.u32 s26, $0x1;
	_ =	strace $0x80000046;
	[dreg:$0x1] =	wrdreg $0xFFFFFFFF  }
0xa9: {  	s28 =	simm.s32 $_size_execute0_lowered;
	s5 =	sadd.s32 s5, s6;
	[dreg:$0x0] =	wrdreg $0x0  }
0xaa: {  	s6 =	sshll.u32 s28, $0x1;
	[dreg:$0x2] =	wrdreg s5  }
0xab: {  	[dreg:$0x3] =	wrdreg s6  }
0xac: {  	[dreg:$0x4] =	wrdreg $0xC0  }
0xad: {  	_ =	task [dreg:s9], $0x5FFFF  }
0xae: {  	[dreg:$0x1] =	wrdreg $0xFFFFFFFF  }
0xaf: {  	[dreg:$0x0] =	wrdreg $0x60  }
0xb0: {  	[dreg:$0x2] =	wrdreg s2  }
0xb1: {  	[dreg:$0x3] =	wrdreg s19  }
0xb2: {  	[dreg:$0x4] =	wrdreg s4  }
0xb3: {  	[dreg:$0x5] =	wrdreg $0x9  }
0xb4: {  	_ =	task.clear_ibuf [dreg:s9], $0x6FFFF;
	_ =	strace $0x90000046  }
0xb5: {  	s29 =	simm.s32 $0x9;
	_ =	strace $0x80000048  }
0xb6: {  	_ =	swait.ge [sflag:s29], $0x1  }
0xb7: {  	[sflag:s29] =	ssyncadd.s32 $0xFFFFFFFF  }
0xb8: {  	_ =	strace $0x90000048  }
0xb9: {  	_ =	sfence  }
0xba: {  	s30 =	sld [smem:$0x0];
	_ =	sdelay $0x2  }
0xbb: {  	s31 =	sshll.u32 s1, $0xD;
	s1 =	sshrl.u32 s1, $0x2  }
0xbc: {  	s3 =	sand.u32 $0x4000, s31;
	s1 =	sadd.s32 s1, s30  }
0xbd: {  	s0 =	sor.u32 s3, s0;
	s1 =	sshll.u32 s1, $0x11  }
0xbe: {  	s0 =	sor.u32 s1, s0  }
0xbf: {  	s0 =	sadd.s32 $0x8F2B, s0  }
0xc0: {  	[sflag:s0] =	ssyncadd.remote.s32 $0x1  }
0xc1: {  	_ =	sfence.sel $0xFFFF  }
0xc2: {  	[dreg:$0x0] =	wrdreg $0xFFFFFFFF;
	(pc) =	sbr.abs _section_cstart, $3  }
0xc3: {  	[dreg:$0x1] =	wrdreg $0xFFFFFFFF  }
0xc4: {  	_ =	task.clear_ibuf [dreg:s9], $0x2FFFF;
	_ =	strace $0x9FFFFFFF  }
0xc5: {  	(tm) =	ssettm $0x7FFFFFFF  }
tec
execute0_lowered:
.L_overlay_start_1:
0x0: {  	(tag) =	ssettag $0x1  }
0x1: {  	s1 =	rddreg [dreg:$0x0]  }
0x2: {  	s4 =	rddreg [dreg:$0x1]  }
0x3: {  	s5 =	rddreg [dreg:$0x2]  }
0x4: {  	s0 =	rddreg [dreg:$0x3];
	s3 =	simm.s32 $0x0;
	s6 =	srdreg.scid  }
0x5: {  	s2 =	stileid.u32;
	s10 =	simm.s32 $0x1080;
	s11 =	simm.s32 $0x1880  }
0x6: {  	s12 =	simm.s32 $0x2080;
	s13 =	simm.s32 $0x2880;
	s14 =	simm.s32 $0x3080  }
0x7: {  	s15 =	simm.s32 $0x3880;
	s16 =	simm.s32 $0x4080;
	s17 =	simm.s32 $0x4880  }
0x8: {  	s18 =	simm.s32 $0x5080;
	s19 =	simm.s32 $0x5880;
	s20 =	simm.s32 $0x6080  }
0x9: {  	s21 =	simm.s32 $0x6880;
	s22 =	simm.s32 $0x7080;
	s23 =	simm.s32 $0x7880  }
0xa: {  	s24 =	simm.s32 $0x1;
	[smem:$0x7FF] =	sst s3;
	s6 =	sand.u32 $0x1, s6  }
0xb: {  	s8 =	sshll.u32 s2, $0x8;
	s7 =	ssub.s32 $0x2, s6;
	s6 =	sshll.u32 s6, $0x7  }
0xc: {  	_ =	strace $0x80000047;
	s9 =	sshrl.u32 s7, $0x1;
	s6 =	sor.u32 s6, s8  }
0xd: {  	v2 =	vlaneseq.u32;
	s7 =	ssub.s32 s7, s9;
	s8 =	sshrl.u32 s6, $0x3;
	s6 =	sshll.u32 s6, $0x5  }
0xe: {  	vm0 =	vmmov $0xffff;
	v1 =	vshrl.u32 v2, $0x3;
	s9 =	simm.s32 $0x880;
	s4 =	sadd.s32 s4, s8;
	s5 =	sadd.s32 s5, s6  }
0xf: {  	v0 =	vand.u32 $0x7, v2;
	v2 =	vor.u32 $0x8, v2;
	v1 =	vmul.u32 $0x8, v1;
	s6 =	smax.u32 s7, $0x1;
	s7 =	simm.s32 $0x2;
	s8 =	simm.s32 $0x80  }
.LBB2_1:
0x10: {  	[tilespmem:s3], [sflag:$0x2] =	stream.linear.gather [hbm4b:s4+s3], $0x80, $0x38;
	[tilespmem:$0x8080] =	vst v63  }
0x11: {  	_ =	swait.ge [sflag:s7], $0x80  }
0x12: {  	[sflag:s7] =	ssyncset.done $0x0  }
0x13: {  	[sflag:s7] =	ssyncadd.s32 $0xFFFFFF80  }
0x14: {  	v3 =	vld [tilespmem:$0x0];
	_ =	sdelay $0x4  }
0x15: {  	v4 =	vshll.u32 v3, $0x1  }
0x16: {  	v3 =	vand.u32 $0x7, v3;
	v4 =	vand.u32 $0xFFFFFFF0, v4  }
0x17: {  	v3 =	vor.u32 v3, v4  }
0x18: {  	v4 =	vperm.xlane v3, v0;
	_ =	sdelay $0x1  }
0x19: {  	v3 =	vperm.xlane v3, v2;
	v4 =	vadd.s32 v1, v4;
	_ =	sdelay $0x1  }
0x1a: {  	v3 =	vadd.s32 v1, v3;
	_ =	sdelay $0x2  }
0x1b: {  	[tilespmem:s8], [sflag:$0x1] =	stream.indirect_vreg.gather [hbm4b:s1+s3], $0x80, v4, vm0, $0xb8;
	[tilespmem:$0x8080] =	vst v63  }
0x1c: {  	_ = 	snop  }
0x1d: {  	[tilespmem:s9], [sflag:$0x1] =	stream.indirect_vreg.gather [hbm4b:s1+s3], $0x80, v3, vm0, $0xb8;
	[tilespmem:$0x8080] =	vst v63  }
0x1e: {  	v3 =	vld [tilespmem:$0x10];
	_ =	sdelay $0x4  }
0x1f: {  	v57 =	vshll.u32 v3, $0x1  }
0x20: {  	v3 =	vand.u32 $0x7, v3;
	v4 =	vand.u32 $0xFFFFFFF0, v57  }
0x21: {  	v3 =	vor.u32 v3, v4  }
0x22: {  	v4 =	vperm.xlane v3, v0;
	_ =	sdelay $0x1  }
0x23: {  	v3 =	vperm.xlane v3, v2;
	v4 =	vadd.s32 v1, v4;
	_ =	sdelay $0x1  }
0x24: {  	v3 =	vadd.s32 v1, v3;
	_ =	sdelay $0x2  }
0x25: {  	[tilespmem:s10], [sflag:$0x1] =	stream.indirect_vreg.gather [hbm4b:s1+s3], $0x80, v4, vm0, $0xb8;
	[tilespmem:$0x8080] =	vst v63  }
0x26: {  	_ = 	snop  }
0x27: {  	[tilespmem:s11], [sflag:$0x1] =	stream.indirect_vreg.gather [hbm4b:s1+s3], $0x80, v3, vm0, $0xb8;
	[tilespmem:$0x8080] =	vst v63  }
0x28: {  	v3 =	vld [tilespmem:$0x20];
	_ =	sdelay $0x4  }
0x29: {  	v58 =	vshll.u32 v3, $0x1  }
0x2a: {  	v3 =	vand.u32 $0x7, v3;
	v4 =	vand.u32 $0xFFFFFFF0, v58  }
0x2b: {  	v3 =	vor.u32 v3, v4  }
0x2c: {  	v4 =	vperm.xlane v3, v0;
	_ =	sdelay $0x1  }
0x2d: {  	v3 =	vperm.xlane v3, v2;
	v4 =	vadd.s32 v1, v4;
	_ =	sdelay $0x1  }
0x2e: {  	v3 =	vadd.s32 v1, v3;
	_ =	sdelay $0x2  }
0x2f: {  	[tilespmem:s12], [sflag:$0x1] =	stream.indirect_vreg.gather [hbm4b:s1+s3], $0x80, v4, vm0, $0xb8;
	[tilespmem:$0x8080] =	vst v63  }
0x30: {  	_ = 	snop  }
0x31: {  	[tilespmem:s13], [sflag:$0x1] =	stream.indirect_vreg.gather [hbm4b:s1+s3], $0x80, v3, vm0, $0xb8;
	[tilespmem:$0x8080] =	vst v63  }
0x32: {  	v3 =	vld [tilespmem:$0x30];
	_ =	sdelay $0x4  }
0x33: {  	v59 =	vshll.u32 v3, $0x1  }
0x34: {  	v3 =	vand.u32 $0x7, v3;
	v4 =	vand.u32 $0xFFFFFFF0, v59  }
0x35: {  	v3 =	vor.u32 v3, v4  }
0x36: {  	v4 =	vperm.xlane v3, v0;
	_ =	sdelay $0x1  }
0x37: {  	v3 =	vperm.xlane v3, v2;
	v4 =	vadd.s32 v1, v4;
	_ =	sdelay $0x1  }
0x38: {  	v3 =	vadd.s32 v1, v3;
	_ =	sdelay $0x2  }
0x39: {  	[tilespmem:s14], [sflag:$0x1] =	stream.indirect_vreg.gather [hbm4b:s1+s3], $0x80, v4, vm0, $0xb8;
	[tilespmem:$0x8080] =	vst v63  }
0x3a: {  	_ = 	snop  }
0x3b: {  	[tilespmem:s15], [sflag:$0x1] =	stream.indirect_vreg.gather [hbm4b:s1+s3], $0x80, v3, vm0, $0xb8;
	[tilespmem:$0x8080] =	vst v63  }
0x3c: {  	v3 =	vld [tilespmem:$0x40];
	_ =	sdelay $0x4  }
0x3d: {  	v60 =	vshll.u32 v3, $0x1  }
0x3e: {  	v3 =	vand.u32 $0x7, v3;
	v4 =	vand.u32 $0xFFFFFFF0, v60  }
0x3f: {  	v3 =	vor.u32 v3, v4  }
0x40: {  	v4 =	vperm.xlane v3, v0;
	_ =	sdelay $0x1  }
0x41: {  	v3 =	vperm.xlane v3, v2;
	v4 =	vadd.s32 v1, v4;
	_ =	sdelay $0x1  }
0x42: {  	v3 =	vadd.s32 v1, v3;
	_ =	sdelay $0x2  }
0x43: {  	[tilespmem:s16], [sflag:$0x1] =	stream.indirect_vreg.gather [hbm4b:s1+s3], $0x80, v4, vm0, $0xb8;
	[tilespmem:$0x8080] =	vst v63  }
0x44: {  	_ = 	snop  }
0x45: {  	[tilespmem:s17], [sflag:$0x1] =	stream.indirect_vreg.gather [hbm4b:s1+s3], $0x80, v3, vm0, $0xb8;
	[tilespmem:$0x8080] =	vst v63  }
0x46: {  	v3 =	vld [tilespmem:$0x50];
	_ =	sdelay $0x4  }
0x47: {  	v61 =	vshll.u32 v3, $0x1  }
0x48: {  	v3 =	vand.u32 $0x7, v3;
	v4 =	vand.u32 $0xFFFFFFF0, v61  }
0x49: {  	v3 =	vor.u32 v3, v4  }
0x4a: {  	v4 =	vperm.xlane v3, v0;
	_ =	sdelay $0x1  }
0x4b: {  	v3 =	vperm.xlane v3, v2;
	v4 =	vadd.s32 v1, v4;
	_ =	sdelay $0x1  }
0x4c: {  	v3 =	vadd.s32 v1, v3;
	_ =	sdelay $0x2  }
0x4d: {  	[tilespmem:s18], [sflag:$0x1] =	stream.indirect_vreg.gather [hbm4b:s1+s3], $0x80, v4, vm0, $0xb8;
	[tilespmem:$0x8080] =	vst v63  }
0x4e: {  	_ = 	snop  }
0x4f: {  	[tilespmem:s19], [sflag:$0x1] =	stream.indirect_vreg.gather [hbm4b:s1+s3], $0x80, v3, vm0, $0xb8;
	[tilespmem:$0x8080] =	vst v63  }
0x50: {  	v3 =	vld [tilespmem:$0x60];
	_ =	sdelay $0x4  }
0x51: {  	v62 =	vshll.u32 v3, $0x1  }
0x52: {  	v3 =	vand.u32 $0x7, v3;
	v4 =	vand.u32 $0xFFFFFFF0, v62  }
0x53: {  	v3 =	vor.u32 v3, v4  }
0x54: {  	v4 =	vperm.xlane v3, v0;
	_ =	sdelay $0x1  }
0x55: {  	v3 =	vperm.xlane v3, v2;
	v4 =	vadd.s32 v1, v4;
	_ =	sdelay $0x1  }
0x56: {  	v3 =	vadd.s32 v1, v3;
	_ =	sdelay $0x2  }
0x57: {  	[tilespmem:s20], [sflag:$0x1] =	stream.indirect_vreg.gather [hbm4b:s1+s3], $0x80, v4, vm0, $0xb8;
	[tilespmem:$0x8080] =	vst v63  }
0x58: {  	_ = 	snop  }
0x59: {  	[tilespmem:s21], [sflag:$0x1] =	stream.indirect_vreg.gather [hbm4b:s1+s3], $0x80, v3, vm0, $0xb8;
	[tilespmem:$0x8080] =	vst v63  }
0x5a: {  	v3 =	vld [tilespmem:$0x70];
	_ =	sdelay $0x4  }
0x5b: {  	v63 =	vshll.u32 v3, $0x1  }
0x5c: {  	v3 =	vand.u32 $0x7, v3;
	v4 =	vand.u32 $0xFFFFFFF0, v63  }
0x5d: {  	v3 =	vor.u32 v3, v4  }
0x5e: {  	v4 =	vperm.xlane v3, v0;
	_ =	sdelay $0x1  }
0x5f: {  	v3 =	vperm.xlane v3, v2;
	v4 =	vadd.s32 v1, v4;
	_ =	sdelay $0x1  }
0x60: {  	v3 =	vadd.s32 v1, v3;
	_ =	sdelay $0x2  }
0x61: {  	[tilespmem:s22], [sflag:$0x1] =	stream.indirect_vreg.gather [hbm4b:s1+s3], $0x80, v4, vm0, $0xb8;
	[tilespmem:$0x8080] =	vst v63  }
0x62: {  	_ = 	snop  }
0x63: {  	[tilespmem:s23], [sflag:$0x1] =	stream.indirect_vreg.gather [hbm4b:s1+s3], $0x80, v3, vm0, $0xb8;
	[tilespmem:$0x8080] =	vst v63  }
0x64: {  	_ =	swait.ge [sflag:s24], $0x8000  }
0x65: {  	p0 =	sne.s32 s6, $0x1;
	[sflag:s24] =	ssyncset.done $0x0  }
.Ltmp0:
0x66: {  	[sflag:s24] =	ssyncadd.s32 $0xFFFF8000;
	(pc) =	sbr.rel @p0 .LBB2_1-.Ltmp0, $4  }
0x67: {  	[hbm4b:s5+s3] =	stream.linear.scatter [tilespmem:s8], [sflag:$0x2], $0x8000, $0x38;
	[tilespmem:$0x8080] =	vst v63  }
0x68: {  	_ =	swait.ge [sflag:s7], $0x8000  }
0x69: {  	[sflag:s7] =	ssyncset.done $0x0  }
0x6a: {  	s6 =	sadd.s32 $0xFFFFFFFF, s6;
	[sflag:s7] =	ssyncadd.s32 $0xFFFF8000  }
0x6b: {  	_ =	sfence.sel $0x180000  }
0x6c: {  	[bflag:$0x0] =	sbarrier.arrive $0xFFFF  }
0x6d: {  	p0 =	sne.s32 s2, $0x0;
	_ =	strace $0x90000047  }
0x6e: {  	s0 =	sadd.s32 @!p0 $0x100000, s0;
	[bflag:$0x2] =	sbarrier.arrive $0xFFFF  }
0x6f: {  	[sflag:s0] =	ssyncadd.tile.s32 @!p0 $0x1;
	_ =	shalt  }
.Lfunc_end2:
_tile_overlayer_lowered:
.L_overlay_start_2:
0x70: {  	(tag) =	ssettag $0x2  }
0x71: {  	s0 =	rddreg [dreg:$0x0];
	s2 =	stileid.u32  }
0x72: {  	s1 =	rddreg [dreg:$0x1];
	p0 =	sne.s32 s2, $0x0  }
0x73: {  	s3 =	rddreg [dreg:$0x2];
	[bflag:$0x3] =	sbarrier.arrive $0xFFFF;
	s2 =	simm.s32 @!p0 $0x1C02  }
0x74: {  	[timem:s3], [sflag:s2] =	dma.local @!p0 [hbm:s0], s1  }
0x75: {  	s0 =	simm.s32 @!p0 $0x2  }
0x76: {  	_ =	swait.ge @!p0 [sflag:s0], s1  }
0x77: {  	s1 =	ssub.s32 @!p0 $0x0, s1;
	[sflag:s0] =	ssyncset.done @!p0 $0x0  }
0x78: {  	[sflag:s0] =	ssyncadd.s32 @!p0 s1  }
0x79: {  	[bflag:$0x3] =	sbarrier.arrive $0xFFFF  }
0x7a: {  	_ =	shalt  }

</sc_bundles>
